<compile_context>
chip_gen: v7x
topology: tpu7x:2x2x1
jax: 0.10.2.dev20260603
libtpu: 0.0.44.dev20260713+nightly
codegen_flags: <defaults>
</compile_context>

<pallas_src>
import functools

import jax
import jax.numpy as jnp
from jax import lax
from jax.experimental import pallas as pl
from jax.experimental.pallas import tpu as pltpu
from jax.experimental.pallas import tpu_sc as plsc

_PLANS = {
    128: ((16, 48, 56, 8), (0, 1, 2, 0)),
    96: ((16, 48, 32), (0, 1, 2)),
    64: ((16, 48), (0, 1)),
    32: ((8, 24), (0, 1)),
}


@functools.cache
def _build_sc(batch: int, hidden: int, dtype):
    info = plsc.get_sparse_core_info()
    nc, ns = info.num_cores, info.num_subcores
    nw = nc * ns
    assert batch % nw == 0
    b_per_w = batch // nw
    chunk_sizes, buf_of = _PLANS[b_per_w]
    n_chunks = len(chunk_sizes)
    nbuf = max(buf_of) + 1
    offs = []
    o = 0
    for sz in chunk_sizes:
        offs.append(o)
        o += sz
    assert o == b_per_w
    buf_rows = [
        max(chunk_sizes[c] for c in range(n_chunks) if buf_of[c] == b)
        for b in range(nbuf)
    ]
    mesh = plsc.VectorSubcoreMesh(core_axis_name="c", subcore_axis_name="s")

    scratch = [pltpu.VMEM((b_per_w,), jnp.int32)]
    scratch += [pltpu.VMEM((buf_rows[b], hidden), dtype) for b in range(nbuf)]
    scratch += [pltpu.SemaphoreType.DMA] * (2 * nbuf)

    @functools.partial(
        pl.kernel,
        mesh=mesh,
        out_type=jax.ShapeDtypeStruct((batch, hidden), dtype),
        scratch_types=scratch,
    )
    def emb(table_hbm, idx_hbm, out_hbm, idx_v, *rest):
        bufs = rest[:nbuf]
        gsems = rest[nbuf : 2 * nbuf]
        ssems = rest[2 * nbuf :]
        wid = lax.axis_index("c") * ns + lax.axis_index("s")
        base = wid * b_per_w
        pltpu.sync_copy(idx_hbm.at[pl.ds(base, b_per_w)], idx_v)

        def gather(c):
            b = buf_of[c]
            dst = bufs[b]
            if chunk_sizes[c] != buf_rows[b]:
                dst = dst.at[pl.ds(0, chunk_sizes[c])]
            return pltpu.async_copy(
                table_hbm.at[idx_v.at[pl.ds(offs[c], chunk_sizes[c])]],
                dst, gsems[b],
            )

        def store(c):
            b = buf_of[c]
            src = bufs[b]
            if chunk_sizes[c] != buf_rows[b]:
                src = src.at[pl.ds(0, chunk_sizes[c])]
            return pltpu.async_copy(
                src, out_hbm.at[pl.ds(base + offs[c], chunk_sizes[c])],
                ssems[b],
            )

        gh, sh = {}, {}
        waited = set()
        for c in range(n_chunks):
            if buf_of[c] == c:
                gh[c] = gather(c)
        for c in range(n_chunks):
            if buf_of[c] != c:
                owner = buf_of[c]
                sh[owner].wait()
                waited.add(owner)
                gh[c] = gather(c)
            gh[c].wait()
            sh[c] = store(c)
        for c in range(n_chunks):
            if c not in waited:
                sh[c].wait()

    return emb


def kernel(labels, embedding_table):
    _, hidden = embedding_table.shape
    return _build_sc(labels.shape[0], hidden, embedding_table.dtype)(
        embedding_table, labels
    )

# --- scband reference (transcript-rebuilt; emitter-appended) ---
"""Pipeline reference for scband-label-embedder-22316650070183 (READ-ONLY COPY).

The authoritative reference and input builder live on the scoring server;
editing this copy changes nothing except your own understanding.
"""

import jax, jax.numpy as jnp
import numpy as np

NUM_CLASSES = 1000
HIDDEN_SIZE = 1024
BATCH = 4096

def setup_inputs(seed: int = 0) -> dict:
    key = jax.random.key(seed)
    k1, k2 = jax.random.split(key)
    labels = jax.random.randint(k1, (BATCH,), 0, NUM_CLASSES + 1, dtype=jnp.int32)
    # learned parameter: embedding table of shape (num_classes + 1, hidden_size)
    embedding_table = jax.random.normal(k2, (NUM_CLASSES + 1, HIDDEN_SIZE), dtype=jnp.float32)
    return {"labels": labels, "embedding_table": embedding_table}

def reference(labels, embedding_table):
    # Faithful translation of nn.Embedding lookup: table[labels]
    return jnp.take(embedding_table, labels, axis=0)

if __name__ == "__main__":
    import jax
    _d = setup_inputs()
    print(jax.jit(kernel)(*tuple(_d.values())))

</pallas_src>

<mosaic_0001>
#map = affine_map<(d0, d1) -> (0, 0)>
#map1 = affine_map<(d0, d1) -> (0)>
module attributes {stable_mosaic.version = 14 : i64} {
  func.func @emb(%arg0: i32, %arg1: i32, %arg2: memref<1001x1024xf32, #tpu.memory_space<hbm>>, %arg3: memref<4096xi32, #tpu.memory_space<hbm>>, %arg4: memref<4096x1024xf32, #tpu.memory_space<hbm>>, %arg5: memref<128xi32, #tpu.memory_space<vmem>>, %arg6: memref<16x1024xf32, #tpu.memory_space<vmem>>, %arg7: memref<48x1024xf32, #tpu.memory_space<vmem>>, %arg8: memref<56x1024xf32, #tpu.memory_space<vmem>>, %arg9: memref<!tpu.dma_semaphore, #tpu.memory_space<semaphore_mem>>, %arg10: memref<!tpu.dma_semaphore, #tpu.memory_space<semaphore_mem>>, %arg11: memref<!tpu.dma_semaphore, #tpu.memory_space<semaphore_mem>>, %arg12: memref<!tpu.dma_semaphore, #tpu.memory_space<semaphore_mem>>, %arg13: memref<!tpu.dma_semaphore, #tpu.memory_space<semaphore_mem>>, %arg14: memref<!tpu.dma_semaphore, #tpu.memory_space<semaphore_mem>>) attributes {dimension_semantics = [#tpu.dimension_semantics<core_parallel>, #tpu.dimension_semantics<subcore_parallel>], iteration_bounds = array<i64: 2, 16>, scalar_prefetch = 0 : i64, scratch_operands = 10 : i64, tpu.core_type = #tpu.core_type<sc_vector_subcore>, window_params = [{transform_indices = #map}, {transform_indices = #map1}, {transform_indices = #map}]} {
    %mul3A = arith.constant 16 : i32
    %mul3A_0 = arith.muli %arg0, %mul3A : i32
    %add3A = arith.addi %mul3A_0, %arg1 : i32
    %mul3A_1 = arith.constant 128 : i32
    %mul3A_2 = arith.muli %add3A, %mul3A_1 : i32
    "tpu.region"() ({
      %run_scoped3A = tpu.sem_alloc : memref<!tpu.dma_semaphore, #tpu.memory_space<semaphore_mem>>
      %dma_start3A_99 = tpu.memref_slice %arg3[%mul3A_2] : memref<4096xi32, #tpu.memory_space<hbm>> -> memref<128xi32, #tpu.memory_space<hbm>>
      %dma_start3A_100 = tpu.memref_slice %arg3[%mul3A_2] : memref<4096xi32, #tpu.memory_space<hbm>> -> memref<128xi32, #tpu.memory_space<hbm>>
      tpu.enqueue_dma source(%dma_start3A_100 : memref<128xi32, #tpu.memory_space<hbm>>) target(%arg5 : memref<128xi32, #tpu.memory_space<vmem>>) target_semaphore(%run_scoped3A : memref<!tpu.dma_semaphore, #tpu.memory_space<semaphore_mem>>)
      %dma_wait3A_101 = tpu.memref_slice %arg3[%mul3A_2] : memref<4096xi32, #tpu.memory_space<hbm>> -> memref<128xi32, #tpu.memory_space<hbm>>
      %dma_wait3A_102 = tpu.memref_slice %arg3[%mul3A_2] : memref<4096xi32, #tpu.memory_space<hbm>> -> memref<128xi32, #tpu.memory_space<hbm>>
      tpu.wait_dma2 semaphore(%run_scoped3A : memref<!tpu.dma_semaphore, #tpu.memory_space<semaphore_mem>>) src(%dma_wait3A_102 : memref<128xi32, #tpu.memory_space<hbm>>) dst(%arg5 : memref<128xi32, #tpu.memory_space<vmem>>)
      tpu.yield
    }) : () -> ()
    %dma_start3A = arith.constant 0 : i32
    %dma_start3A_3 = tpu.memref_slice %arg5[%dma_start3A] : memref<128xi32, #tpu.memory_space<vmem>> -> memref<16xi32, #tpu.memory_space<vmem>>
    %dma_start3A_4 = arith.constant 0 : i32
    %dma_start3A_5 = arith.constant 0 : i32
    %dma_start3A_6 = tpu.memref_slice %arg2[%dma_start3A_4, %dma_start3A_5] : memref<1001x1024xf32, #tpu.memory_space<hbm>> -> memref<1001x1024xf32, #tpu.memory_space<hbm>>
    tpu.enqueue_indirect_dma source(%dma_start3A_6 : memref<1001x1024xf32, #tpu.memory_space<hbm>>) target(%arg6 : memref<16x1024xf32, #tpu.memory_space<vmem>>) offsets(%dma_start3A_3 : memref<16xi32, #tpu.memory_space<vmem>>) semaphore(%arg9 : memref<!tpu.dma_semaphore, #tpu.memory_space<semaphore_mem>>)
    %dma_start3A_7 = arith.constant 16 : i32
    %dma_start3A_8 = tpu.memref_slice %arg5[%dma_start3A_7] : memref<128xi32, #tpu.memory_space<vmem>> -> memref<48xi32, #tpu.memory_space<vmem>>
    %dma_start3A_9 = arith.constant 0 : i32
    %dma_start3A_10 = arith.constant 0 : i32
    %dma_start3A_11 = tpu.memref_slice %arg2[%dma_start3A_9, %dma_start3A_10] : memref<1001x1024xf32, #tpu.memory_space<hbm>> -> memref<1001x1024xf32, #tpu.memory_space<hbm>>
    tpu.enqueue_indirect_dma source(%dma_start3A_11 : memref<1001x1024xf32, #tpu.memory_space<hbm>>) target(%arg7 : memref<48x1024xf32, #tpu.memory_space<vmem>>) offsets(%dma_start3A_8 : memref<48xi32, #tpu.memory_space<vmem>>) semaphore(%arg10 : memref<!tpu.dma_semaphore, #tpu.memory_space<semaphore_mem>>)
    %dma_start3A_12 = arith.constant 64 : i32
    %dma_start3A_13 = tpu.memref_slice %arg5[%dma_start3A_12] : memref<128xi32, #tpu.memory_space<vmem>> -> memref<56xi32, #tpu.memory_space<vmem>>
    %dma_start3A_14 = arith.constant 0 : i32
    %dma_start3A_15 = arith.constant 0 : i32
    %dma_start3A_16 = tpu.memref_slice %arg2[%dma_start3A_14, %dma_start3A_15] : memref<1001x1024xf32, #tpu.memory_space<hbm>> -> memref<1001x1024xf32, #tpu.memory_space<hbm>>
    tpu.enqueue_indirect_dma source(%dma_start3A_16 : memref<1001x1024xf32, #tpu.memory_space<hbm>>) target(%arg8 : memref<56x1024xf32, #tpu.memory_space<vmem>>) offsets(%dma_start3A_13 : memref<56xi32, #tpu.memory_space<vmem>>) semaphore(%arg11 : memref<!tpu.dma_semaphore, #tpu.memory_space<semaphore_mem>>)
    %dma_wait3A = arith.constant 0 : i32
    %dma_wait3A_17 = tpu.memref_slice %arg5[%dma_wait3A] : memref<128xi32, #tpu.memory_space<vmem>> -> memref<16xi32, #tpu.memory_space<vmem>>
    %dma_wait3A_18 = arith.constant 0 : i32
    %dma_wait3A_19 = arith.constant 0 : i32
    %dma_wait3A_20 = tpu.memref_slice %arg2[%dma_wait3A_18, %dma_wait3A_19] : memref<1001x1024xf32, #tpu.memory_space<hbm>> -> memref<1001x1024xf32, #tpu.memory_space<hbm>>
    tpu.wait_indirect_dma semaphore(%arg9 : memref<!tpu.dma_semaphore, #tpu.memory_space<semaphore_mem>>) src(%dma_wait3A_20 : memref<1001x1024xf32, #tpu.memory_space<hbm>>) dst(%arg6 : memref<16x1024xf32, #tpu.memory_space<vmem>>)
    %add3A_21 = arith.constant 0 : i32
    %add3A_22 = arith.addi %mul3A_2, %add3A_21 : i32
    %dma_start3A_23 = arith.constant 0 : i32
    %dma_start3A_24 = tpu.memref_slice %arg4[%add3A_22, %dma_start3A_23] : memref<4096x1024xf32, #tpu.memory_space<hbm>> -> memref<16x1024xf32, #tpu.memory_space<hbm>>
    %dma_start3A_25 = arith.constant 0 : i32
    %dma_start3A_26 = tpu.memref_slice %arg4[%add3A_22, %dma_start3A_25] : memref<4096x1024xf32, #tpu.memory_space<hbm>> -> memref<16x1024xf32, #tpu.memory_space<hbm>>
    tpu.enqueue_dma source(%arg6 : memref<16x1024xf32, #tpu.memory_space<vmem>>) target(%dma_start3A_26 : memref<16x1024xf32, #tpu.memory_space<hbm>>) target_semaphore(%arg12 : memref<!tpu.dma_semaphore, #tpu.memory_space<semaphore_mem>>)
    %dma_wait3A_27 = arith.constant 16 : i32
    %dma_wait3A_28 = tpu.memref_slice %arg5[%dma_wait3A_27] : memref<128xi32, #tpu.memory_space<vmem>> -> memref<48xi32, #tpu.memory_space<vmem>>
    %dma_wait3A_29 = arith.constant 0 : i32
    %dma_wait3A_30 = arith.constant 0 : i32
    %dma_wait3A_31 = tpu.memref_slice %arg2[%dma_wait3A_29, %dma_wait3A_30] : memref<1001x1024xf32, #tpu.memory_space<hbm>> -> memref<1001x1024xf32, #tpu.memory_space<hbm>>
    tpu.wait_indirect_dma semaphore(%arg10 : memref<!tpu.dma_semaphore, #tpu.memory_space<semaphore_mem>>) src(%dma_wait3A_31 : memref<1001x1024xf32, #tpu.memory_space<hbm>>) dst(%arg7 : memref<48x1024xf32, #tpu.memory_space<vmem>>)
    %add3A_32 = arith.constant 16 : i32
    %add3A_33 = arith.addi %mul3A_2, %add3A_32 : i32
    %dma_start3A_34 = arith.constant 0 : i32
    %dma_start3A_35 = tpu.memref_slice %arg4[%add3A_33, %dma_start3A_34] : memref<4096x1024xf32, #tpu.memory_space<hbm>> -> memref<48x1024xf32, #tpu.memory_space<hbm>>
    %dma_start3A_36 = arith.constant 0 : i32
    %dma_start3A_37 = tpu.memref_slice %arg4[%add3A_33, %dma_start3A_36] : memref<4096x1024xf32, #tpu.memory_space<hbm>> -> memref<48x1024xf32, #tpu.memory_space<hbm>>
    tpu.enqueue_dma source(%arg7 : memref<48x1024xf32, #tpu.memory_space<vmem>>) target(%dma_start3A_37 : memref<48x1024xf32, #tpu.memory_space<hbm>>) target_semaphore(%arg13 : memref<!tpu.dma_semaphore, #tpu.memory_space<semaphore_mem>>)
    %dma_wait3A_38 = arith.constant 64 : i32
    %dma_wait3A_39 = tpu.memref_slice %arg5[%dma_wait3A_38] : memref<128xi32, #tpu.memory_space<vmem>> -> memref<56xi32, #tpu.memory_space<vmem>>
    %dma_wait3A_40 = arith.constant 0 : i32
    %dma_wait3A_41 = arith.constant 0 : i32
    %dma_wait3A_42 = tpu.memref_slice %arg2[%dma_wait3A_40, %dma_wait3A_41] : memref<1001x1024xf32, #tpu.memory_space<hbm>> -> memref<1001x1024xf32, #tpu.memory_space<hbm>>
    tpu.wait_indirect_dma semaphore(%arg11 : memref<!tpu.dma_semaphore, #tpu.memory_space<semaphore_mem>>) src(%dma_wait3A_42 : memref<1001x1024xf32, #tpu.memory_space<hbm>>) dst(%arg8 : memref<56x1024xf32, #tpu.memory_space<vmem>>)
    %add3A_43 = arith.constant 64 : i32
    %add3A_44 = arith.addi %mul3A_2, %add3A_43 : i32
    %dma_start3A_45 = arith.constant 0 : i32
    %dma_start3A_46 = tpu.memref_slice %arg4[%add3A_44, %dma_start3A_45] : memref<4096x1024xf32, #tpu.memory_space<hbm>> -> memref<56x1024xf32, #tpu.memory_space<hbm>>
    %dma_start3A_47 = arith.constant 0 : i32
    %dma_start3A_48 = tpu.memref_slice %arg4[%add3A_44, %dma_start3A_47] : memref<4096x1024xf32, #tpu.memory_space<hbm>> -> memref<56x1024xf32, #tpu.memory_space<hbm>>
    tpu.enqueue_dma source(%arg8 : memref<56x1024xf32, #tpu.memory_space<vmem>>) target(%dma_start3A_48 : memref<56x1024xf32, #tpu.memory_space<hbm>>) target_semaphore(%arg14 : memref<!tpu.dma_semaphore, #tpu.memory_space<semaphore_mem>>)
    %dma_wait3A_49 = arith.constant 0 : i32
    %dma_wait3A_50 = tpu.memref_slice %arg4[%add3A_22, %dma_wait3A_49] : memref<4096x1024xf32, #tpu.memory_space<hbm>> -> memref<16x1024xf32, #tpu.memory_space<hbm>>
    %dma_wait3A_51 = arith.constant 0 : i32
    %dma_wait3A_52 = tpu.memref_slice %arg4[%add3A_22, %dma_wait3A_51] : memref<4096x1024xf32, #tpu.memory_space<hbm>> -> memref<16x1024xf32, #tpu.memory_space<hbm>>
    tpu.wait_dma2 semaphore(%arg12 : memref<!tpu.dma_semaphore, #tpu.memory_space<semaphore_mem>>) src(%arg6 : memref<16x1024xf32, #tpu.memory_space<vmem>>) dst(%dma_wait3A_52 : memref<16x1024xf32, #tpu.memory_space<hbm>>)
    %dma_start3A_53 = arith.constant 0 : i32
    %dma_start3A_54 = arith.constant 0 : i32
    %dma_start3A_55 = tpu.memref_slice %arg6[%dma_start3A_53, %dma_start3A_54] : memref<16x1024xf32, #tpu.memory_space<vmem>> -> memref<8x1024xf32, #tpu.memory_space<vmem>>
    %dma_start3A_56 = arith.constant 120 : i32
    %dma_start3A_57 = tpu.memref_slice %arg5[%dma_start3A_56] : memref<128xi32, #tpu.memory_space<vmem>> -> memref<8xi32, #tpu.memory_space<vmem>>
    %dma_start3A_58 = arith.constant 0 : i32
    %dma_start3A_59 = arith.constant 0 : i32
    %dma_start3A_60 = tpu.memref_slice %arg2[%dma_start3A_58, %dma_start3A_59] : memref<1001x1024xf32, #tpu.memory_space<hbm>> -> memref<1001x1024xf32, #tpu.memory_space<hbm>>
    tpu.enqueue_indirect_dma source(%dma_start3A_60 : memref<1001x1024xf32, #tpu.memory_space<hbm>>) target(%dma_start3A_55 : memref<8x1024xf32, #tpu.memory_space<vmem>>) offsets(%dma_start3A_57 : memref<8xi32, #tpu.memory_space<vmem>>) semaphore(%arg9 : memref<!tpu.dma_semaphore, #tpu.memory_space<semaphore_mem>>)
    %dma_wait3A_61 = arith.constant 0 : i32
    %dma_wait3A_62 = arith.constant 0 : i32
    %dma_wait3A_63 = tpu.memref_slice %arg6[%dma_wait3A_61, %dma_wait3A_62] : memref<16x1024xf32, #tpu.memory_space<vmem>> -> memref<8x1024xf32, #tpu.memory_space<vmem>>
    %dma_wait3A_64 = arith.constant 120 : i32
    %dma_wait3A_65 = tpu.memref_slice %arg5[%dma_wait3A_64] : memref<128xi32, #tpu.memory_space<vmem>> -> memref<8xi32, #tpu.memory_space<vmem>>
    %dma_wait3A_66 = arith.constant 0 : i32
    %dma_wait3A_67 = arith.constant 0 : i32
    %dma_wait3A_68 = tpu.memref_slice %arg2[%dma_wait3A_66, %dma_wait3A_67] : memref<1001x1024xf32, #tpu.memory_space<hbm>> -> memref<1001x1024xf32, #tpu.memory_space<hbm>>
    tpu.wait_indirect_dma semaphore(%arg9 : memref<!tpu.dma_semaphore, #tpu.memory_space<semaphore_mem>>) src(%dma_wait3A_68 : memref<1001x1024xf32, #tpu.memory_space<hbm>>) dst(%dma_wait3A_63 : memref<8x1024xf32, #tpu.memory_space<vmem>>)
    %add3A_69 = arith.constant 120 : i32
    %add3A_70 = arith.addi %mul3A_2, %add3A_69 : i32
    %dma_start3A_71 = arith.constant 0 : i32
    %dma_start3A_72 = arith.constant 0 : i32
    %dma_start3A_73 = tpu.memref_slice %arg6[%dma_start3A_71, %dma_start3A_72] : memref<16x1024xf32, #tpu.memory_space<vmem>> -> memref<8x1024xf32, #tpu.memory_space<vmem>>
    %dma_start3A_74 = arith.constant 0 : i32
    %dma_start3A_75 = tpu.memref_slice %arg4[%add3A_70, %dma_start3A_74] : memref<4096x1024xf32, #tpu.memory_space<hbm>> -> memref<8x1024xf32, #tpu.memory_space<hbm>>
    %dma_start3A_76 = arith.constant 0 : i32
    %dma_start3A_77 = tpu.memref_slice %arg4[%add3A_70, %dma_start3A_76] : memref<4096x1024xf32, #tpu.memory_space<hbm>> -> memref<8x1024xf32, #tpu.memory_space<hbm>>
    %dma_start3A_78 = arith.constant 0 : i32
    %dma_start3A_79 = arith.constant 0 : i32
    %dma_start3A_80 = tpu.memref_slice %arg6[%dma_start3A_78, %dma_start3A_79] : memref<16x1024xf32, #tpu.memory_space<vmem>> -> memref<8x1024xf32, #tpu.memory_space<vmem>>
    tpu.enqueue_dma source(%dma_start3A_80 : memref<8x1024xf32, #tpu.memory_space<vmem>>) target(%dma_start3A_77 : memref<8x1024xf32, #tpu.memory_space<hbm>>) target_semaphore(%arg12 : memref<!tpu.dma_semaphore, #tpu.memory_space<semaphore_mem>>)
    %dma_wait3A_81 = arith.constant 0 : i32
    %dma_wait3A_82 = tpu.memref_slice %arg4[%add3A_33, %dma_wait3A_81] : memref<4096x1024xf32, #tpu.memory_space<hbm>> -> memref<48x1024xf32, #tpu.memory_space<hbm>>
    %dma_wait3A_83 = arith.constant 0 : i32
    %dma_wait3A_84 = tpu.memref_slice %arg4[%add3A_33, %dma_wait3A_83] : memref<4096x1024xf32, #tpu.memory_space<hbm>> -> memref<48x1024xf32, #tpu.memory_space<hbm>>
    tpu.wait_dma2 semaphore(%arg13 : memref<!tpu.dma_semaphore, #tpu.memory_space<semaphore_mem>>) src(%arg7 : memref<48x1024xf32, #tpu.memory_space<vmem>>) dst(%dma_wait3A_84 : memref<48x1024xf32, #tpu.memory_space<hbm>>)
    %dma_wait3A_85 = arith.constant 0 : i32
    %dma_wait3A_86 = tpu.memref_slice %arg4[%add3A_44, %dma_wait3A_85] : memref<4096x1024xf32, #tpu.memory_space<hbm>> -> memref<56x1024xf32, #tpu.memory_space<hbm>>
    %dma_wait3A_87 = arith.constant 0 : i32
    %dma_wait3A_88 = tpu.memref_slice %arg4[%add3A_44, %dma_wait3A_87] : memref<4096x1024xf32, #tpu.memory_space<hbm>> -> memref<56x1024xf32, #tpu.memory_space<hbm>>
    tpu.wait_dma2 semaphore(%arg14 : memref<!tpu.dma_semaphore, #tpu.memory_space<semaphore_mem>>) src(%arg8 : memref<56x1024xf32, #tpu.memory_space<vmem>>) dst(%dma_wait3A_88 : memref<56x1024xf32, #tpu.memory_space<hbm>>)
    %dma_wait3A_89 = arith.constant 0 : i32
    %dma_wait3A_90 = arith.constant 0 : i32
    %dma_wait3A_91 = tpu.memref_slice %arg6[%dma_wait3A_89, %dma_wait3A_90] : memref<16x1024xf32, #tpu.memory_space<vmem>> -> memref<8x1024xf32, #tpu.memory_space<vmem>>
    %dma_wait3A_92 = arith.constant 0 : i32
    %dma_wait3A_93 = tpu.memref_slice %arg4[%add3A_70, %dma_wait3A_92] : memref<4096x1024xf32, #tpu.memory_space<hbm>> -> memref<8x1024xf32, #tpu.memory_space<hbm>>
    %dma_wait3A_94 = arith.constant 0 : i32
    %dma_wait3A_95 = tpu.memref_slice %arg4[%add3A_70, %dma_wait3A_94] : memref<4096x1024xf32, #tpu.memory_space<hbm>> -> memref<8x1024xf32, #tpu.memory_space<hbm>>
    %dma_wait3A_96 = arith.constant 0 : i32
    %dma_wait3A_97 = arith.constant 0 : i32
    %dma_wait3A_98 = tpu.memref_slice %arg6[%dma_wait3A_96, %dma_wait3A_97] : memref<16x1024xf32, #tpu.memory_space<vmem>> -> memref<8x1024xf32, #tpu.memory_space<vmem>>
    tpu.wait_dma2 semaphore(%arg12 : memref<!tpu.dma_semaphore, #tpu.memory_space<semaphore_mem>>) src(%dma_wait3A_98 : memref<8x1024xf32, #tpu.memory_space<vmem>>) dst(%dma_wait3A_95 : memref<8x1024xf32, #tpu.memory_space<hbm>>)
    return
  }
}

</mosaic_0001>

<sc_bundles>
// kernel: kernel.3.cloned.1.call-start
scs
__scs_entry_jumppad:
0x0: {  	(pc) =	sbr.rel $0x88, $3  }
0x1: {  	(tag) =	ssettag $0x0;
	lr =	simm.s32 $0x1  }
0x2: {  	[smem:$0x3F9F] =	sst lr;
	_ =	strace $0xD0000000  }
0x3: {  	_ = 	snop  }
0x4: {  	_ = 	snop  }
0x5: {  	_ = 	snop  }
0x6: {  	_ = 	snop  }
0x7: {  	_ = 	snop  }
__scs_overlays_trampoline_lowered:
0x8: {  	[smem:$0x3FAE] =	sst s0  }
0x9: {  	[smem:$0x3FAF] =	sst s1  }
0xa: {  	[smem:$0x3FB0] =	sst s2  }
0xb: {  	[smem:$0x3FB1] =	sst s3  }
0xc: {  	[smem:$0x3FB2] =	sst s4  }
0xd: {  	[smem:$0x3FB3] =	sst s5  }
0xe: {  	[smem:$0x3FB4] =	sst s6  }
0xf: {  	[smem:$0x3FB5] =	sst s7  }
0x10: {  	[smem:$0x3FB6] =	sst s8  }
0x11: {  	[smem:$0x3FB7] =	sst s9;
	s0 =	simm.s32 @!p0 $0x0  }
0x12: {  	s1 =	sld [smem:$0x3F9D];
	s0 =	simm.s32 @p0 $0x1  }
0x13: {  	[smem:$0x3FB8] =	sst s0;
	s0 =	simm.s32 @!p1 $0x0  }
0x14: {  	s2 =	sld [smem:$0x3F9C];
	s0 =	simm.s32 @p1 $0x1  }
0x15: {  	[smem:$0x3FB9] =	sst s0;
	s0 =	simm.s32 @!p2 $0x0  }
0x16: {  	s3 =	sld [smem:$0x3FDB];
	s0 =	simm.s32 @p2 $0x1  }
0x17: {  	s4 =	simm.s32 $0x1BF5;
	[smem:$0x3FBB] =	sst s0  }
0x18: {  	s0 =	sld [smem:$0x3F9E];
	_ =	swait.ge [sflag:s4], $0x0  }
0x19: {  	s7 =	sld [smem:$0x3F9F]  }
0x1a: {  	s8 =	sadd.s32 $0xFFFFE003, lr  }
0x1b: {  	s9 =	sadd.s32 $0xFFFFFEF7, lr;
	s5 =	simm.s32 $0xFFFFFFFF;
	p2 =	slt.u32 s8, $0xFFFFF086  }
0x1c: {  	p1 =	slt.u32 s9, $0xF7A;
	s5 =	simm.s32 @!p2 $0x0  }
0x1d: {  	s5 =	simm.s32 @p1 $0x1;
	p0 =	seq.s32 s7, s2  }
0x1e: {  	s7 =	smul.u32 @!p0 $0xF7A, s2;
	p2 =	seq.s32 @!p0 s5, $0x0  }
0x1f: {  	s9 =	smul.u32 $0xF7A, s1;
	s8 =	simm.s32 @!p0 $0x1BF5;
	p2 =	por !p2, p0  }
0x20: {  	[sflag:s8] =	ssyncset.s32 @!p0 $0xFFFFF086;
	s6 =	sadd.s32 @!p0 s3, s7;
	s7 =	simm.s32 @!p0 $0x108  }
0x21: {  	s3 =	sadd.s32 s3, s9;
	s6 =	sadd.s32 @!p0 $0x88, s6;
	s7 =	simm.s32 @p2 $0x1082  }
0x22: {  	[simem:s7], [sflag:s8] =	dma.local @!p0 [hbm:s6], $0xF7A  }
0x23: {  	s9 =	sor.u32 $0xD0000000, s2;
	s6 =	simm.s32 $0x108;
	_ =	swait.ge @!p0 [sflag:s8], $0x0  }
0x24: {  	s3 =	sadd.s32 $0x88, s3;
	s6 =	simm.s32 @!p1 $0x1082;
	[sflag:s4] =	ssyncset.s32 $0xFFFFF086  }
0x25: {  	[simem:s6], [sflag:s4] =	dma.local [hbm:s3], $0xF7A  }
0x26: {  	[smem:$0x3F9F] =	sst s1;
	(tag) =	ssettag s2;
	_ =	strace s9  }
0x27: {  	s1 =	sld [smem:$0x3FAF]  }
0x28: {  	s2 =	sld [smem:$0x3FB0]  }
0x29: {  	s4 =	sld [smem:$0x3FB2]  }
0x2a: {  	p0 =	seq.s32 s5, $0x0;
	s5 =	sld [smem:$0x3FB3]  }
0x2b: {  	s6 =	sld [smem:$0x3FB4]  }
0x2c: {  	s7 =	sld [smem:$0x3FB5]  }
0x2d: {  	s3 =	simm.s32 $0x108;
	s8 =	sld [smem:$0x3FB6]  }
0x2e: {  	s3 =	simm.s32 @!p0 $0x1082;
	s9 =	sld [smem:$0x3FB7]  }
0x2f: {  	lr =	sadd.s32 s0, s3;
	s0 =	sld [smem:$0x3FAE]  }
0x30: {  	s3 =	sld [smem:$0x3FB1]  }
0x31: {  	[smem:$0x3FBA] =	sst s10  }
0x32: {  	s10 =	sld [smem:$0x3FB8];
	_ =	sdelay $0x3  }
0x33: {  	p0 =	seq.s32 s10, $0x1;
	s10 =	sld [smem:$0x3FBA];
	_ =	sdelay $0x3  }
0x34: {  	[smem:$0x3FBA] =	sst s10  }
0x35: {  	s10 =	sld [smem:$0x3FB9];
	_ =	sdelay $0x3  }
0x36: {  	p1 =	seq.s32 s10, $0x1;
	s10 =	sld [smem:$0x3FBA];
	_ =	sdelay $0x3  }
0x37: {  	[smem:$0x3FBA] =	sst s10  }
0x38: {  	s10 =	sld [smem:$0x3FBB]  }
0x39: {  	_ = 	snop;
	(pc) =	sbr.ind lr, $3  }
0x3a: {  	_ = 	snop  }
0x3b: {  	_ = 	snop  }
0x3c: {  	p2 =	seq.s32 s10, $0x1;
	s10 =	sld [smem:$0x3FBA]  }
0x3d: {  	_ =	shalt  }
0x3e: {  	_ =	shalt  }
0x3f: {  	_ =	shalt  }
0x40: {  	_ =	shalt  }
0x41: {  	_ =	shalt  }
0x42: {  	_ =	shalt  }
0x43: {  	_ =	shalt  }
0x44: {  	_ =	shalt  }
0x45: {  	_ =	shalt  }
0x46: {  	_ =	shalt  }
0x47: {  	_ =	shalt  }
0x48: {  	_ =	shalt  }
0x49: {  	_ =	shalt  }
0x4a: {  	_ =	shalt  }
0x4b: {  	_ =	shalt  }
0x4c: {  	_ =	shalt  }
0x4d: {  	_ =	shalt  }
0x4e: {  	_ =	shalt  }
0x4f: {  	_ =	shalt  }
0x50: {  	_ =	shalt  }
0x51: {  	_ =	shalt  }
0x52: {  	_ =	shalt  }
0x53: {  	_ =	shalt  }
0x54: {  	_ =	shalt  }
0x55: {  	_ =	shalt  }
0x56: {  	_ =	shalt  }
0x57: {  	_ =	shalt  }
0x58: {  	_ =	shalt  }
0x59: {  	_ =	shalt  }
0x5a: {  	_ =	shalt  }
0x5b: {  	_ =	shalt  }
0x5c: {  	_ =	shalt  }
0x5d: {  	_ =	shalt  }
0x5e: {  	_ =	shalt  }
0x5f: {  	_ =	shalt  }
0x60: {  	_ =	shalt  }
0x61: {  	_ =	shalt  }
0x62: {  	_ =	shalt  }
0x63: {  	_ =	shalt  }
0x64: {  	_ =	shalt  }
0x65: {  	_ =	shalt  }
0x66: {  	_ =	shalt  }
0x67: {  	_ =	shalt  }
0x68: {  	_ =	shalt  }
0x69: {  	_ =	shalt  }
0x6a: {  	_ =	shalt  }
0x6b: {  	_ =	shalt  }
0x6c: {  	_ =	shalt  }
0x6d: {  	_ =	shalt  }
0x6e: {  	_ =	shalt  }
0x6f: {  	_ =	shalt  }
0x70: {  	_ =	shalt  }
0x71: {  	_ =	shalt  }
0x72: {  	_ =	shalt  }
0x73: {  	_ =	shalt  }
0x74: {  	_ =	shalt  }
0x75: {  	_ =	shalt  }
0x76: {  	_ =	shalt  }
0x77: {  	_ =	shalt  }
0x78: {  	_ =	shalt  }
0x79: {  	_ =	shalt  }
0x7a: {  	_ =	shalt  }
0x7b: {  	_ =	shalt  }
0x7c: {  	_ =	shalt  }
0x7d: {  	_ =	shalt  }
0x7e: {  	_ =	shalt  }
0x7f: {  	_ =	shalt  }
0x80: {  	_ =	shalt  }
0x81: {  	_ =	shalt  }
0x82: {  	_ =	shalt  }
0x83: {  	_ =	shalt  }
0x84: {  	_ =	shalt  }
0x85: {  	_ =	shalt  }
0x86: {  	_ =	shalt  }
0x87: {  	_ =	shalt  }
.Lfunc_end0:
.L_simem_size_0:
called_computation_lowered:
.L_overlay_start_0:
0x88: {  	s2 =	sld [smem:$0x3FD9]  }
0x89: {  	s3 =	sld [smem:$0x3FFE];
	_ =	sdelay $0x1  }
0x8a: {  	s1 =	srdreg.scid  }
0x8b: {  	s0 =	sand.u32 $0x1, s1  }
0x8c: {  	s18 =	sshll.u32 s0, $0xA;
	s2 =	sadd.s32 s3, s2  }
0x8d: {  	s2 =	sadd.s32 s2, s18  }
0x8e: {  	[smem:$0x3FC6] =	sst s2  }
0x8f: {  	_ = 	snop  }
0x90: {  	s2 =	sld [smem:$0x3FC9]  }
0x91: {  	s19 =	sld [smem:$0x3FC8]  }
0x92: {  	s4 =	sld [smem:$0x3FD0];
	(tm) =	ssettm $0x1  }
0x93: {  	s5 =	sld [smem:$0x3FFB];
	_ =	sdelay $0x3  }
0x94: {  	_ =	strace s5  }
0x95: {  	s5 =	sld [smem:$0x3FFC];
	_ =	sdelay $0x3  }
0x96: {  	_ =	strace s5  }
0x97: {  	s5 =	sld [smem:$0x3FFD];
	_ =	sdelay $0x3  }
0x98: {  	_ =	strace s5  }
0x99: {  	_ =	strace $0x8FFFFFFF  }
0x9a: {  	s20 =	sld [smem:$0x3FDB];
	_ =	sdelay $0x1  }
0x9b: {  	s6 =	simm.s32 $_scs_section_size  }
0x9c: {  	s7 =	simm.s32 $_size__tile_overlayer_lowered;
	s8 =	simm.s32 $_tile_overlayer_lowered  }
0x9d: {  	s23 =	simm.s32 $0x1BFF;
	s22 =	sshll.u32 s8, $0x1;
	s5 =	sadd.s32 s6, s20  }
0x9e: {  	s9 =	simm.s32 $0x0;
	s21 =	sshll.u32 s7, $0x1;
	s7 =	sadd.s32 s22, s5  }
0x9f: {  	[timem:s9], [sflag:s23] =	dma.local [hbm:s7], s21  }
0xa0: {  	_ =	swait.ge [sflag:s23], s21  }
0xa1: {  	s6 =	ssub.s32 $0x0, s21;
	[sflag:s23] =	ssyncset.done $0x0  }
0xa2: {  	[sflag:s23] =	ssyncadd.s32 s6;
	_ =	sdelay $0x1  }
0xa3: {  	s24 =	simm.s32 $0x1B8B  }
0xa4: {  	_ =	swait.ge [sflag:s24], $0x1  }
0xa5: {  	[sflag:s24] =	ssyncset.done $0x0  }
0xa6: {  	s25 =	simm.s32 $0x1B8E;
	[sflag:s24] =	ssyncadd.s32 $0xFFFFFFFF  }
0xa7: {  	s26 =	simm.s32 $execute0_lowered;
	[smem:$0x3FD2] =	sst s25  }
0xa8: {  	s6 =	sshll.u32 s26, $0x1;
	_ =	strace $0x80000046;
	[dreg:$0x1] =	wrdreg $0xFFFFFFFF  }
0xa9: {  	s28 =	simm.s32 $_size_execute0_lowered;
	s5 =	sadd.s32 s5, s6;
	[dreg:$0x0] =	wrdreg $0x0  }
0xaa: {  	s6 =	sshll.u32 s28, $0x1;
	[dreg:$0x2] =	wrdreg s5  }
0xab: {  	[dreg:$0x3] =	wrdreg s6  }
0xac: {  	[dreg:$0x4] =	wrdreg $0xC0  }
0xad: {  	_ =	task [dreg:s9], $0x5FFFF  }
0xae: {  	[dreg:$0x1] =	wrdreg $0xFFFFFFFF  }
0xaf: {  	[dreg:$0x0] =	wrdreg $0x60  }
0xb0: {  	[dreg:$0x2] =	wrdreg s19  }
0xb1: {  	[dreg:$0x3] =	wrdreg s2  }
0xb2: {  	[dreg:$0x4] =	wrdreg s4  }
0xb3: {  	[dreg:$0x5] =	wrdreg $0x9  }
0xb4: {  	_ =	task.clear_ibuf [dreg:s9], $0x6FFFF;
	_ =	strace $0x90000046  }
0xb5: {  	s29 =	simm.s32 $0x9;
	_ =	strace $0x80000048  }
0xb6: {  	_ =	swait.ge [sflag:s29], $0x1  }
0xb7: {  	[sflag:s29] =	ssyncadd.s32 $0xFFFFFFFF  }
0xb8: {  	_ =	strace $0x90000048  }
0xb9: {  	_ =	sfence  }
0xba: {  	s30 =	sld [smem:$0x0];
	_ =	sdelay $0x2  }
0xbb: {  	s31 =	sshll.u32 s1, $0xD;
	s1 =	sshrl.u32 s1, $0x2  }
0xbc: {  	s3 =	sand.u32 $0x4000, s31;
	s1 =	sadd.s32 s1, s30  }
0xbd: {  	s0 =	sor.u32 s3, s0;
	s1 =	sshll.u32 s1, $0x11  }
0xbe: {  	s0 =	sor.u32 s1, s0  }
0xbf: {  	s0 =	sadd.s32 $0x8F2B, s0  }
0xc0: {  	[sflag:s0] =	ssyncadd.remote.s32 $0x1  }
0xc1: {  	_ =	sfence.sel $0xFFFF  }
0xc2: {  	[dreg:$0x0] =	wrdreg $0xFFFFFFFF;
	(pc) =	sbr.abs _section_cstart, $3  }
0xc3: {  	[dreg:$0x1] =	wrdreg $0xFFFFFFFF  }
0xc4: {  	_ =	task.clear_ibuf [dreg:s9], $0x2FFFF;
	_ =	strace $0x9FFFFFFF  }
0xc5: {  	(tm) =	ssettm $0x7FFFFFFF  }
tec
execute0_lowered:
.L_overlay_start_1:
0x0: {  	(tag) =	ssettag $0x1  }
0x1: {  	s1 =	rddreg [dreg:$0x0]  }
0x2: {  	s4 =	rddreg [dreg:$0x1]  }
0x3: {  	s5 =	rddreg [dreg:$0x2];
	s3 =	simm.s32 $0x0  }
0x4: {  	s8 =	simm.s32 $0x3080;
	[smem:$0x7FF] =	sst s3  }
0x5: {  	s9 =	simm.s32 $0x3880;
	_ =	strace $0x80000047;
	[dreg:$0xa] =	wrdreg s8  }
0x6: {  	s10 =	simm.s32 $0x4880;
	[dreg:$0xb] =	wrdreg s9  }
0x7: {  	s11 =	simm.s32 $0x5080;
	[dreg:$0xc] =	wrdreg s10  }
0x8: {  	s12 =	simm.s32 $0x5880;
	[dreg:$0xd] =	wrdreg s11  }
0x9: {  	s13 =	simm.s32 $0x6080;
	[dreg:$0xe] =	wrdreg s12  }
0xa: {  	s14 =	simm.s32 $0x6880;
	[dreg:$0xf] =	wrdreg s13  }
0xb: {  	s15 =	simm.s32 $0x7080;
	[dreg:$0x10] =	wrdreg s14  }
0xc: {  	s16 =	simm.s32 $0x7880;
	[dreg:$0x11] =	wrdreg s15  }
0xd: {  	s17 =	simm.s32 $0x8080;
	[dreg:$0x12] =	wrdreg s16  }
0xe: {  	s18 =	simm.s32 $0x8880;
	[dreg:$0x13] =	wrdreg s17  }
0xf: {  	s19 =	simm.s32 $0x9080;
	[dreg:$0x14] =	wrdreg s18  }
0x10: {  	s20 =	simm.s32 $0x9880;
	[dreg:$0x15] =	wrdreg s19  }
0x11: {  	s21 =	simm.s32 $0xA080;
	[dreg:$0x16] =	wrdreg s20  }
0x12: {  	s22 =	simm.s32 $0xA880;
	[dreg:$0x17] =	wrdreg s21  }
0x13: {  	s23 =	simm.s32 $0xB080;
	[dreg:$0x18] =	wrdreg s22  }
0x14: {  	s24 =	simm.s32 $0xB880;
	[dreg:$0x19] =	wrdreg s23  }
0x15: {  	s25 =	simm.s32 $0xC080;
	[dreg:$0x1a] =	wrdreg s24  }
0x16: {  	s2 =	srdreg.scid;
	[dreg:$0x1b] =	wrdreg s25;
	s8 =	simm.s32 $0xE880  }
0x17: {  	s0 =	stileid.u32;
	s9 =	simm.s32 $0xF080;
	[smem:$0x7EA] =	sst s8  }
0x18: {  	s28 =	simm.s32 $0x2;
	s10 =	simm.s32 $0xF880;
	[smem:$0x7EB] =	sst s9  }
0x19: {  	s29 =	simm.s32 $0x3;
	s11 =	simm.s32 $0x10880;
	[smem:$0x7EC] =	sst s10  }
0x1a: {  	s30 =	simm.s32 $0x4;
	s12 =	simm.s32 $0x11080;
	[smem:$0x7ED] =	sst s11  }
0x1b: {  	s31 =	simm.s32 $0x5;
	s13 =	simm.s32 $0x11880;
	[smem:$0x7EE] =	sst s12  }
0x1c: {  	s2 =	sand.u32 $0x1, s2;
	s14 =	simm.s32 $0x12080;
	[smem:$0x7EF] =	sst s13  }
0x1d: {  	s7 =	sshll.u32 s0, $0x7;
	s15 =	simm.s32 $0x12880;
	[smem:$0x7F0] =	sst s14  }
0x1e: {  	s6 =	sshll.u32 s2, $0xB;
	s17 =	simm.s32 $0x13080;
	[smem:$0x7F1] =	sst s15  }
0x1f: {  	s2 =	ssub.s32 $0x2, s2;
	s18 =	simm.s32 $0x13880;
	[smem:$0x7F2] =	sst s17  }
0x20: {  	s19 =	simm.s32 $0x14080;
	s20 =	simm.s32 $0x15880;
	[smem:$0x7F3] =	sst s18  }
0x21: {  	s21 =	simm.s32 $0x16080;
	s22 =	simm.s32 $0x16880;
	[smem:$0x7F4] =	sst s19  }
0x22: {  	s23 =	simm.s32 $0x17080;
	s24 =	simm.s32 $0x17880;
	[smem:$0x7F7] =	sst s20  }
0x23: {  	s25 =	simm.s32 $0x18080;
	s6 =	sor.u32 s7, s6;
	[smem:$0x7F8] =	sst s21  }
0x24: {  	s16 =	sshrl.u32 s2, $0x1;
	s8 =	simm.s32 $0x14880;
	[smem:$0x7F9] =	sst s22  }
0x25: {  	s9 =	simm.s32 $0x15080;
	s10 =	simm.s32 $0x80;
	[smem:$0x7FA] =	sst s23  }
0x26: {  	s11 =	simm.s32 $0x880;
	s12 =	simm.s32 $0x1080;
	[smem:$0x7FB] =	sst s24  }
0x27: {  	s13 =	simm.s32 $0x1880;
	s14 =	simm.s32 $0x4080;
	[smem:$0x7FC] =	sst s25  }
0x28: {  	s15 =	simm.s32 $0x10080;
	s17 =	simm.s32 $0x19880;
	s18 =	simm.s32 $0x1A080  }
0x29: {  	s19 =	simm.s32 $0x1A880;
	s20 =	simm.s32 $0x1B080;
	s21 =	simm.s32 $0x1B880  }
0x2a: {  	s22 =	simm.s32 $0x1C080;
	s7 =	sshrl.u32 s6, $0x3;
	[smem:$0x7F5] =	sst s8  }
0x2b: {  	s6 =	sshll.u32 s6, $0x7;
	[smem:$0x7F6] =	sst s9;
	s7 =	sadd.s32 s4, s7  }
0x2c: {  	s4 =	sadd.s32 s5, s6;
	s6 =	simm.s32 $0x2080;
	[dreg:$0x4] =	wrdreg s7  }
0x2d: {  	s23 =	simm.s32 $0x1C880;
	s5 =	sadd.s32 $0x800, s4;
	[dreg:$0x8] =	wrdreg s6  }
0x2e: {  	s24 =	simm.s32 $0x1D080;
	s26 =	sadd.s32 $0x2000, s4;
	[dreg:$0x5] =	wrdreg s5  }
0x2f: {  	s25 =	simm.s32 $0x1D880;
	s0 =	sadd.s32 $0x3C00, s4;
	[dreg:$0x6] =	wrdreg s26  }
0x30: {  	s2 =	ssub.s32 s2, s16;
	s7 =	simm.s32 $0x2880;
	[dreg:$0x7] =	wrdreg s0  }
0x31: {  	s9 =	simm.s32 $0x7;
	s6 =	simm.s32 $0xD880;
	[dreg:$0x9] =	wrdreg s7  }
0x32: {  	s8 =	smax.u32 s2, $0x1;
	s26 =	simm.s32 $0xC880;
	[dreg:$0x1e] =	wrdreg s6  }
0x33: {  	s2 =	simm.s32 $0x6;
	s0 =	simm.s32 $0xD080;
	[dreg:$0x1c] =	wrdreg s26  }
0x34: {  	v2 =	vlaneseq.u32;
	s7 =	simm.s32 $0xE080;
	s5 =	sadd.s32 $0x100, s1;
	[dreg:$0x1d] =	wrdreg s0  }
0x35: {  	vm0 =	vmmov $0xffff;
	v1 =	vshrl.u32 v2, $0x3;
	s6 =	sadd.s32 $0x200, s1;
	[dreg:$0x1f] =	wrdreg s7;
	s26 =	simm.s32 $0x18880  }
0x36: {  	v0 =	vand.u32 $0x7, v2;
	v2 =	vor.u32 $0x8, v2;
	v1 =	vmul.u32 $0x8, v1;
	s7 =	sadd.s32 $0x300, s1;
	[smem:$0x7FD] =	sst s26;
	s26 =	simm.s32 $0x1  }
.LBB2_1:
0x37: {  	s0 =	rddreg [dreg:$0x4]  }
0x38: {  	[tilespmem:s3], [sflag:$0x7] =	stream.linear.gather [hbm4b:s0+s3], $0x80, $0x38;
	[tilespmem:$0x1E080] =	vst v63  }
0x39: {  	_ =	swait.ge [sflag:s9], $0x80  }
0x3a: {  	[sflag:s9] =	ssyncset.done $0x0  }
0x3b: {  	[sflag:s9] =	ssyncadd.s32 $0xFFFFFF80  }
0x3c: {  	v3 =	vld [tilespmem:$0x0];
	_ =	sdelay $0x4  }
0x3d: {  	v4 =	vshll.u32 v3, $0x3  }
0x3e: {  	v3 =	vand.u32 $0x7, v3;
	v4 =	vand.u32 $0xFFFFFFC0, v4  }
0x3f: {  	v3 =	vor.u32 v3, v4  }
0x40: {  	v4 =	vperm.xlane v3, v0;
	_ =	sdelay $0x1  }
0x41: {  	v4 =	vadd.s32 v1, v4;
	_ =	sdelay $0x4  }
0x42: {  	[tilespmem:s10], [sflag:$0x1] =	stream.indirect_vreg.gather [hbm4b:s1+s3], $0x80, v4, vm0, $0xb8;
	[tilespmem:$0x1E080] =	vst v63  }
0x43: {  	v3 =	vperm.xlane v3, v2  }
0x44: {  	[tilespmem:s11], [sflag:$0x1] =	stream.indirect_vreg.gather [hbm4b:s5+s3], $0x80, v4, vm0, $0xb8;
	[tilespmem:$0x1E080] =	vst v63  }
0x45: {  	v3 =	vadd.s32 v1, v3  }
0x46: {  	[tilespmem:s12], [sflag:$0x1] =	stream.indirect_vreg.gather [hbm4b:s6+s3], $0x80, v4, vm0, $0xb8;
	[tilespmem:$0x1E080] =	vst v63  }
0x47: {  	_ = 	snop  }
0x48: {  	[tilespmem:s13], [sflag:$0x1] =	stream.indirect_vreg.gather [hbm4b:s7+s3], $0x80, v4, vm0, $0xb8;
	[tilespmem:$0x1E080] =	vst v63  }
0x49: {  	s0 =	rddreg [dreg:$0x8]  }
0x4a: {  	[tilespmem:s0], [sflag:$0x1] =	stream.indirect_vreg.gather [hbm4b:s1+s3], $0x80, v3, vm0, $0xb8;
	[tilespmem:$0x1E080] =	vst v63  }
0x4b: {  	s16 =	rddreg [dreg:$0x9]  }
0x4c: {  	[tilespmem:s16], [sflag:$0x1] =	stream.indirect_vreg.gather [hbm4b:s5+s3], $0x80, v3, vm0, $0xb8;
	[tilespmem:$0x1E080] =	vst v63  }
0x4d: {  	s0 =	rddreg [dreg:$0xa]  }
0x4e: {  	[tilespmem:s0], [sflag:$0x1] =	stream.indirect_vreg.gather [hbm4b:s6+s3], $0x80, v3, vm0, $0xb8;
	[tilespmem:$0x1E080] =	vst v63  }
0x4f: {  	s16 =	rddreg [dreg:$0xb]  }
0x50: {  	[tilespmem:s16], [sflag:$0x1] =	stream.indirect_vreg.gather [hbm4b:s7+s3], $0x80, v3, vm0, $0xb8;
	[tilespmem:$0x1E080] =	vst v63  }
0x51: {  	v3 =	vld [tilespmem:$0x10];
	_ =	sdelay $0x4  }
0x52: {  	v56 =	vshll.u32 v3, $0x3  }
0x53: {  	v3 =	vand.u32 $0x7, v3;
	v4 =	vand.u32 $0xFFFFFFC0, v56  }
0x54: {  	v3 =	vor.u32 v3, v4  }
0x55: {  	v4 =	vperm.xlane v3, v0;
	_ =	sdelay $0x1  }
0x56: {  	v4 =	vadd.s32 v1, v4;
	_ =	sdelay $0x4  }
0x57: {  	[tilespmem:s14], [sflag:$0x2] =	stream.indirect_vreg.gather [hbm4b:s1+s3], $0x80, v4, vm0, $0xb8;
	[tilespmem:$0x1E080] =	vst v63  }
0x58: {  	s0 =	rddreg [dreg:$0xc];
	v3 =	vperm.xlane v3, v2  }
0x59: {  	[tilespmem:s0], [sflag:$0x2] =	stream.indirect_vreg.gather [hbm4b:s5+s3], $0x80, v4, vm0, $0xb8;
	[tilespmem:$0x1E080] =	vst v63  }
0x5a: {  	s16 =	rddreg [dreg:$0xd];
	v3 =	vadd.s32 v1, v3  }
0x5b: {  	[tilespmem:s16], [sflag:$0x2] =	stream.indirect_vreg.gather [hbm4b:s6+s3], $0x80, v4, vm0, $0xb8;
	[tilespmem:$0x1E080] =	vst v63  }
0x5c: {  	s0 =	rddreg [dreg:$0xe]  }
0x5d: {  	[tilespmem:s0], [sflag:$0x2] =	stream.indirect_vreg.gather [hbm4b:s7+s3], $0x80, v4, vm0, $0xb8;
	[tilespmem:$0x1E080] =	vst v63  }
0x5e: {  	s16 =	rddreg [dreg:$0xf]  }
0x5f: {  	[tilespmem:s16], [sflag:$0x2] =	stream.indirect_vreg.gather [hbm4b:s1+s3], $0x80, v3, vm0, $0xb8;
	[tilespmem:$0x1E080] =	vst v63  }
0x60: {  	s0 =	rddreg [dreg:$0x10]  }
0x61: {  	[tilespmem:s0], [sflag:$0x2] =	stream.indirect_vreg.gather [hbm4b:s5+s3], $0x80, v3, vm0, $0xb8;
	[tilespmem:$0x1E080] =	vst v63  }
0x62: {  	s16 =	rddreg [dreg:$0x11]  }
0x63: {  	[tilespmem:s16], [sflag:$0x2] =	stream.indirect_vreg.gather [hbm4b:s6+s3], $0x80, v3, vm0, $0xb8;
	[tilespmem:$0x1E080] =	vst v63  }
0x64: {  	s0 =	rddreg [dreg:$0x12]  }
0x65: {  	[tilespmem:s0], [sflag:$0x2] =	stream.indirect_vreg.gather [hbm4b:s7+s3], $0x80, v3, vm0, $0xb8;
	[tilespmem:$0x1E080] =	vst v63  }
0x66: {  	v3 =	vld [tilespmem:$0x20];
	_ =	sdelay $0x4  }
0x67: {  	v57 =	vshll.u32 v3, $0x3  }
0x68: {  	v3 =	vand.u32 $0x7, v3;
	v4 =	vand.u32 $0xFFFFFFC0, v57  }
0x69: {  	v3 =	vor.u32 v3, v4  }
0x6a: {  	v4 =	vperm.xlane v3, v0;
	_ =	sdelay $0x1  }
0x6b: {  	v4 =	vadd.s32 v1, v4;
	_ =	sdelay $0x3  }
0x6c: {  	s0 =	rddreg [dreg:$0x13]  }
0x6d: {  	[tilespmem:s0], [sflag:$0x2] =	stream.indirect_vreg.gather [hbm4b:s1+s3], $0x80, v4, vm0, $0xb8;
	[tilespmem:$0x1E080] =	vst v63  }
0x6e: {  	s16 =	rddreg [dreg:$0x14];
	v3 =	vperm.xlane v3, v2  }
0x6f: {  	[tilespmem:s16], [sflag:$0x2] =	stream.indirect_vreg.gather [hbm4b:s5+s3], $0x80, v4, vm0, $0xb8;
	[tilespmem:$0x1E080] =	vst v63  }
0x70: {  	v3 =	vadd.s32 v1, v3;
	s0 =	rddreg [dreg:$0x15]  }
0x71: {  	[tilespmem:s0], [sflag:$0x2] =	stream.indirect_vreg.gather [hbm4b:s6+s3], $0x80, v4, vm0, $0xb8;
	[tilespmem:$0x1E080] =	vst v63  }
0x72: {  	s16 =	rddreg [dreg:$0x16]  }
0x73: {  	[tilespmem:s16], [sflag:$0x2] =	stream.indirect_vreg.gather [hbm4b:s7+s3], $0x80, v4, vm0, $0xb8;
	[tilespmem:$0x1E080] =	vst v63  }
0x74: {  	s0 =	rddreg [dreg:$0x17]  }
0x75: {  	[tilespmem:s0], [sflag:$0x2] =	stream.indirect_vreg.gather [hbm4b:s1+s3], $0x80, v3, vm0, $0xb8;
	[tilespmem:$0x1E080] =	vst v63  }
0x76: {  	s16 =	rddreg [dreg:$0x18]  }
0x77: {  	[tilespmem:s16], [sflag:$0x2] =	stream.indirect_vreg.gather [hbm4b:s5+s3], $0x80, v3, vm0, $0xb8;
	[tilespmem:$0x1E080] =	vst v63  }
0x78: {  	s0 =	rddreg [dreg:$0x19]  }
0x79: {  	[tilespmem:s0], [sflag:$0x2] =	stream.indirect_vreg.gather [hbm4b:s6+s3], $0x80, v3, vm0, $0xb8;
	[tilespmem:$0x1E080] =	vst v63  }
0x7a: {  	s16 =	rddreg [dreg:$0x1a]  }
0x7b: {  	[tilespmem:s16], [sflag:$0x2] =	stream.indirect_vreg.gather [hbm4b:s7+s3], $0x80, v3, vm0, $0xb8;
	[tilespmem:$0x1E080] =	vst v63  }
0x7c: {  	v3 =	vld [tilespmem:$0x30];
	_ =	sdelay $0x4  }
0x7d: {  	v58 =	vshll.u32 v3, $0x3  }
0x7e: {  	v3 =	vand.u32 $0x7, v3;
	v4 =	vand.u32 $0xFFFFFFC0, v58  }
0x7f: {  	v3 =	vor.u32 v3, v4  }
0x80: {  	v4 =	vperm.xlane v3, v0;
	_ =	sdelay $0x1  }
0x81: {  	v4 =	vadd.s32 v1, v4;
	_ =	sdelay $0x2  }
0x82: {  	s0 =	rddreg [dreg:$0x1b]  }
0x83: {  	s16 =	rddreg [dreg:$0x1c]  }
0x84: {  	[tilespmem:s0], [sflag:$0x2] =	stream.indirect_vreg.gather [hbm4b:s1+s3], $0x80, v4, vm0, $0xb8;
	[tilespmem:$0x1E080] =	vst v63  }
0x85: {  	v3 =	vperm.xlane v3, v2;
	s0 =	rddreg [dreg:$0x1d]  }
0x86: {  	[tilespmem:s16], [sflag:$0x2] =	stream.indirect_vreg.gather [hbm4b:s5+s3], $0x80, v4, vm0, $0xb8;
	[tilespmem:$0x1E080] =	vst v63  }
0x87: {  	v3 =	vadd.s32 v1, v3;
	s16 =	rddreg [dreg:$0x1e]  }
0x88: {  	[tilespmem:s0], [sflag:$0x2] =	stream.indirect_vreg.gather [hbm4b:s6+s3], $0x80, v4, vm0, $0xb8;
	[tilespmem:$0x1E080] =	vst v63  }
0x89: {  	s0 =	rddreg [dreg:$0x1f]  }
0x8a: {  	[tilespmem:s16], [sflag:$0x2] =	stream.indirect_vreg.gather [hbm4b:s7+s3], $0x80, v4, vm0, $0xb8;
	[tilespmem:$0x1E080] =	vst v63  }
0x8b: {  	s16 =	sld [smem:$0x7EA]  }
0x8c: {  	[tilespmem:s0], [sflag:$0x2] =	stream.indirect_vreg.gather [hbm4b:s1+s3], $0x80, v3, vm0, $0xb8;
	[tilespmem:$0x1E080] =	vst v63  }
0x8d: {  	s0 =	sld [smem:$0x7EB]  }
0x8e: {  	[tilespmem:s16], [sflag:$0x2] =	stream.indirect_vreg.gather [hbm4b:s5+s3], $0x80, v3, vm0, $0xb8;
	[tilespmem:$0x1E080] =	vst v63  }
0x8f: {  	s16 =	sld [smem:$0x7EC]  }
0x90: {  	[tilespmem:s0], [sflag:$0x2] =	stream.indirect_vreg.gather [hbm4b:s6+s3], $0x80, v3, vm0, $0xb8;
	[tilespmem:$0x1E080] =	vst v63  }
0x91: {  	_ = 	snop  }
0x92: {  	[tilespmem:s16], [sflag:$0x2] =	stream.indirect_vreg.gather [hbm4b:s7+s3], $0x80, v3, vm0, $0xb8;
	[tilespmem:$0x1E080] =	vst v63  }
0x93: {  	v3 =	vld [tilespmem:$0x40];
	_ =	sdelay $0x4  }
0x94: {  	v59 =	vshll.u32 v3, $0x3  }
0x95: {  	v3 =	vand.u32 $0x7, v3;
	v4 =	vand.u32 $0xFFFFFFC0, v59  }
0x96: {  	v3 =	vor.u32 v3, v4  }
0x97: {  	v4 =	vperm.xlane v3, v0;
	_ =	sdelay $0x1  }
0x98: {  	v4 =	vadd.s32 v1, v4;
	_ =	sdelay $0x3  }
0x99: {  	s0 =	sld [smem:$0x7ED]  }
0x9a: {  	[tilespmem:s15], [sflag:$0x3] =	stream.indirect_vreg.gather [hbm4b:s1+s3], $0x80, v4, vm0, $0xb8;
	[tilespmem:$0x1E080] =	vst v63  }
0x9b: {  	s16 =	sld [smem:$0x7EE];
	v3 =	vperm.xlane v3, v2  }
0x9c: {  	[tilespmem:s0], [sflag:$0x3] =	stream.indirect_vreg.gather [hbm4b:s5+s3], $0x80, v4, vm0, $0xb8;
	[tilespmem:$0x1E080] =	vst v63  }
0x9d: {  	v3 =	vadd.s32 v1, v3;
	s0 =	sld [smem:$0x7EF]  }
0x9e: {  	[tilespmem:s16], [sflag:$0x3] =	stream.indirect_vreg.gather [hbm4b:s6+s3], $0x80, v4, vm0, $0xb8;
	[tilespmem:$0x1E080] =	vst v63  }
0x9f: {  	s16 =	sld [smem:$0x7F0]  }
0xa0: {  	[tilespmem:s0], [sflag:$0x3] =	stream.indirect_vreg.gather [hbm4b:s7+s3], $0x80, v4, vm0, $0xb8;
	[tilespmem:$0x1E080] =	vst v63  }
0xa1: {  	s0 =	sld [smem:$0x7F1]  }
0xa2: {  	[tilespmem:s16], [sflag:$0x3] =	stream.indirect_vreg.gather [hbm4b:s1+s3], $0x80, v3, vm0, $0xb8;
	[tilespmem:$0x1E080] =	vst v63  }
0xa3: {  	s16 =	sld [smem:$0x7F2]  }
0xa4: {  	[tilespmem:s0], [sflag:$0x3] =	stream.indirect_vreg.gather [hbm4b:s5+s3], $0x80, v3, vm0, $0xb8;
	[tilespmem:$0x1E080] =	vst v63  }
0xa5: {  	s0 =	sld [smem:$0x7F3]  }
0xa6: {  	[tilespmem:s16], [sflag:$0x3] =	stream.indirect_vreg.gather [hbm4b:s6+s3], $0x80, v3, vm0, $0xb8;
	[tilespmem:$0x1E080] =	vst v63  }
0xa7: {  	_ = 	snop  }
0xa8: {  	[tilespmem:s0], [sflag:$0x3] =	stream.indirect_vreg.gather [hbm4b:s7+s3], $0x80, v3, vm0, $0xb8;
	[tilespmem:$0x1E080] =	vst v63  }
0xa9: {  	v3 =	vld [tilespmem:$0x50];
	_ =	sdelay $0x4  }
0xaa: {  	v60 =	vshll.u32 v3, $0x3  }
0xab: {  	v3 =	vand.u32 $0x7, v3;
	v4 =	vand.u32 $0xFFFFFFC0, v60  }
0xac: {  	v3 =	vor.u32 v3, v4  }
0xad: {  	v4 =	vperm.xlane v3, v0;
	_ =	sdelay $0x1  }
0xae: {  	v4 =	vadd.s32 v1, v4;
	_ =	sdelay $0x1  }
0xaf: {  	s0 =	sld [smem:$0x7F4];
	_ =	sdelay $0x1  }
0xb0: {  	s16 =	sld [smem:$0x7F5]  }
0xb1: {  	[tilespmem:s0], [sflag:$0x3] =	stream.indirect_vreg.gather [hbm4b:s1+s3], $0x80, v4, vm0, $0xb8;
	[tilespmem:$0x1E080] =	vst v63  }
0xb2: {  	v3 =	vperm.xlane v3, v2;
	s0 =	sld [smem:$0x7F6]  }
0xb3: {  	[tilespmem:s16], [sflag:$0x3] =	stream.indirect_vreg.gather [hbm4b:s5+s3], $0x80, v4, vm0, $0xb8;
	[tilespmem:$0x1E080] =	vst v63  }
0xb4: {  	v3 =	vadd.s32 v1, v3;
	s16 =	sld [smem:$0x7F7]  }
0xb5: {  	[tilespmem:s0], [sflag:$0x3] =	stream.indirect_vreg.gather [hbm4b:s6+s3], $0x80, v4, vm0, $0xb8;
	[tilespmem:$0x1E080] =	vst v63  }
0xb6: {  	s0 =	sld [smem:$0x7F8]  }
0xb7: {  	[tilespmem:s16], [sflag:$0x3] =	stream.indirect_vreg.gather [hbm4b:s7+s3], $0x80, v4, vm0, $0xb8;
	[tilespmem:$0x1E080] =	vst v63  }
0xb8: {  	s16 =	sld [smem:$0x7F9]  }
0xb9: {  	[tilespmem:s0], [sflag:$0x3] =	stream.indirect_vreg.gather [hbm4b:s1+s3], $0x80, v3, vm0, $0xb8;
	[tilespmem:$0x1E080] =	vst v63  }
0xba: {  	s0 =	sld [smem:$0x7FA]  }
0xbb: {  	[tilespmem:s16], [sflag:$0x3] =	stream.indirect_vreg.gather [hbm4b:s5+s3], $0x80, v3, vm0, $0xb8;
	[tilespmem:$0x1E080] =	vst v63  }
0xbc: {  	s16 =	sld [smem:$0x7FB]  }
0xbd: {  	[tilespmem:s0], [sflag:$0x3] =	stream.indirect_vreg.gather [hbm4b:s6+s3], $0x80, v3, vm0, $0xb8;
	[tilespmem:$0x1E080] =	vst v63  }
0xbe: {  	_ = 	snop  }
0xbf: {  	[tilespmem:s16], [sflag:$0x3] =	stream.indirect_vreg.gather [hbm4b:s7+s3], $0x80, v3, vm0, $0xb8;
	[tilespmem:$0x1E080] =	vst v63  }
0xc0: {  	v3 =	vld [tilespmem:$0x60];
	_ =	sdelay $0x4  }
0xc1: {  	v61 =	vshll.u32 v3, $0x3  }
0xc2: {  	v3 =	vand.u32 $0x7, v3;
	v4 =	vand.u32 $0xFFFFFFC0, v61  }
0xc3: {  	v3 =	vor.u32 v3, v4  }
0xc4: {  	v4 =	vperm.xlane v3, v0;
	_ =	sdelay $0x1  }
0xc5: {  	v4 =	vadd.s32 v1, v4;
	_ =	sdelay $0x1  }
0xc6: {  	s0 =	sld [smem:$0x7FC];
	_ =	sdelay $0x1  }
0xc7: {  	s16 =	sld [smem:$0x7FD]  }
0xc8: {  	[tilespmem:s0], [sflag:$0x3] =	stream.indirect_vreg.gather [hbm4b:s1+s3], $0x80, v4, vm0, $0xb8;
	[tilespmem:$0x1E080] =	vst v63  }
0xc9: {  	v3 =	vperm.xlane v3, v2  }
0xca: {  	[tilespmem:s16], [sflag:$0x3] =	stream.indirect_vreg.gather [hbm4b:s5+s3], $0x80, v4, vm0, $0xb8;
	[tilespmem:$0x1E080] =	vst v63  }
0xcb: {  	v3 =	vadd.s32 v1, v3;
	s16 =	simm.s32 $0x19080  }
0xcc: {  	[tilespmem:s16], [sflag:$0x3] =	stream.indirect_vreg.gather [hbm4b:s6+s3], $0x80, v4, vm0, $0xb8;
	[tilespmem:$0x1E080] =	vst v63  }
0xcd: {  	_ = 	snop  }
0xce: {  	[tilespmem:s17], [sflag:$0x3] =	stream.indirect_vreg.gather [hbm4b:s7+s3], $0x80, v4, vm0, $0xb8;
	[tilespmem:$0x1E080] =	vst v63  }
0xcf: {  	_ = 	snop  }
0xd0: {  	[tilespmem:s18], [sflag:$0x3] =	stream.indirect_vreg.gather [hbm4b:s1+s3], $0x80, v3, vm0, $0xb8;
	[tilespmem:$0x1E080] =	vst v63  }
0xd1: {  	_ = 	snop  }
0xd2: {  	[tilespmem:s19], [sflag:$0x3] =	stream.indirect_vreg.gather [hbm4b:s5+s3], $0x80, v3, vm0, $0xb8;
	[tilespmem:$0x1E080] =	vst v63  }
0xd3: {  	_ = 	snop  }
0xd4: {  	[tilespmem:s20], [sflag:$0x3] =	stream.indirect_vreg.gather [hbm4b:s6+s3], $0x80, v3, vm0, $0xb8;
	[tilespmem:$0x1E080] =	vst v63  }
0xd5: {  	_ = 	snop  }
0xd6: {  	[tilespmem:s21], [sflag:$0x3] =	stream.indirect_vreg.gather [hbm4b:s7+s3], $0x80, v3, vm0, $0xb8;
	[tilespmem:$0x1E080] =	vst v63  }
0xd7: {  	v3 =	vld.msk [tilespmem:$0x70], $0xff;
	_ =	sdelay $0x4  }
0xd8: {  	v62 =	vshll.u32 v3, $0x3  }
0xd9: {  	v3 =	vand.u32 $0x7, v3;
	v4 =	vand.u32 $0xFFFFFFC0, v62  }
0xda: {  	v3 =	vor.u32 v3, v4  }
0xdb: {  	v3 =	vperm.xlane v3, v0;
	_ =	sdelay $0x1  }
0xdc: {  	v3 =	vadd.s32 v1, v3;
	_ =	sdelay $0x4  }
0xdd: {  	[tilespmem:s22], [sflag:$0x3] =	stream.indirect_vreg.gather [hbm4b:s1+s3], $0x80, v3, vm0, $0xb8;
	[tilespmem:$0x1E080] =	vst v63  }
0xde: {  	_ = 	snop  }
0xdf: {  	[tilespmem:s23], [sflag:$0x3] =	stream.indirect_vreg.gather [hbm4b:s5+s3], $0x80, v3, vm0, $0xb8;
	[tilespmem:$0x1E080] =	vst v63  }
0xe0: {  	_ = 	snop  }
0xe1: {  	[tilespmem:s24], [sflag:$0x3] =	stream.indirect_vreg.gather [hbm4b:s6+s3], $0x80, v3, vm0, $0xb8;
	[tilespmem:$0x1E080] =	vst v63  }
0xe2: {  	_ = 	snop  }
0xe3: {  	[tilespmem:s25], [sflag:$0x3] =	stream.indirect_vreg.gather [hbm4b:s7+s3], $0x80, v3, vm0, $0xb8;
	[tilespmem:$0x1E080] =	vst v63  }
0xe4: {  	_ =	swait.ge [sflag:s26], $0x4000  }
0xe5: {  	[sflag:s26] =	ssyncset.done $0x0  }
0xe6: {  	[sflag:s26] =	ssyncadd.s32 $0xFFFFC000  }
0xe7: {  	[hbm4b:s4+s3] =	stream.linear.scatter [tilespmem:s10], [sflag:$0x4], $0x4000, $0x38;
	[tilespmem:$0x1E080] =	vst v63  }
0xe8: {  	_ =	swait.ge [sflag:s28], $0xC000  }
0xe9: {  	[sflag:s28] =	ssyncset.done $0x0  }
0xea: {  	s16 =	rddreg [dreg:$0x5];
	[sflag:s28] =	ssyncadd.s32 $0xFFFF4000  }
0xeb: {  	[hbm4b:s16+s3] =	stream.linear.scatter [tilespmem:s14], [sflag:$0x5], $0xC000, $0x38;
	[tilespmem:$0x1E080] =	vst v63  }
0xec: {  	_ =	swait.ge [sflag:s29], $0xE000  }
0xed: {  	[sflag:s29] =	ssyncset.done $0x0  }
0xee: {  	s16 =	rddreg [dreg:$0x6];
	[sflag:s29] =	ssyncadd.s32 $0xFFFF2000  }
0xef: {  	[hbm4b:s16+s3] =	stream.linear.scatter [tilespmem:s15], [sflag:$0x6], $0xE000, $0x38;
	[tilespmem:$0x1E080] =	vst v63  }
0xf0: {  	_ =	swait.ge [sflag:s30], $0x4000  }
0xf1: {  	[sflag:s30] =	ssyncset.done $0x0  }
0xf2: {  	[sflag:s30] =	ssyncadd.s32 $0xFFFFC000  }
0xf3: {  	v3 =	vld.msk [tilespmem:$0x78], $0xff;
	_ =	sdelay $0x4  }
0xf4: {  	v63 =	vshll.u32 v3, $0x3  }
0xf5: {  	v3 =	vand.u32 $0x7, v3;
	v4 =	vand.u32 $0xFFFFFFC0, v63  }
0xf6: {  	v3 =	vor.u32 v3, v4  }
0xf7: {  	v3 =	vperm.xlane v3, v0;
	_ =	sdelay $0x1  }
0xf8: {  	v3 =	vadd.s32 v1, v3;
	_ =	sdelay $0x4  }
0xf9: {  	[tilespmem:s10], [sflag:$0x1] =	stream.indirect_vreg.gather [hbm4b:s1+s3], $0x80, v3, vm0, $0xb8;
	[tilespmem:$0x1E080] =	vst v63  }
0xfa: {  	_ = 	snop  }
0xfb: {  	[tilespmem:s11], [sflag:$0x1] =	stream.indirect_vreg.gather [hbm4b:s5+s3], $0x80, v3, vm0, $0xb8;
	[tilespmem:$0x1E080] =	vst v63  }
0xfc: {  	_ = 	snop  }
0xfd: {  	[tilespmem:s12], [sflag:$0x1] =	stream.indirect_vreg.gather [hbm4b:s6+s3], $0x80, v3, vm0, $0xb8;
	[tilespmem:$0x1E080] =	vst v63  }
0xfe: {  	_ = 	snop  }
0xff: {  	[tilespmem:s13], [sflag:$0x1] =	stream.indirect_vreg.gather [hbm4b:s7+s3], $0x80, v3, vm0, $0xb8;
	[tilespmem:$0x1E080] =	vst v63  }
0x100: {  	_ =	swait.ge [sflag:s26], $0x2000  }
0x101: {  	[sflag:s26] =	ssyncset.done $0x0  }
0x102: {  	s16 =	rddreg [dreg:$0x7];
	[sflag:s26] =	ssyncadd.s32 $0xFFFFE000  }
0x103: {  	[hbm4b:s16+s3] =	stream.linear.scatter [tilespmem:s10], [sflag:$0x4], $0x2000, $0x38;
	[tilespmem:$0x1E080] =	vst v63  }
0x104: {  	_ =	swait.ge [sflag:s31], $0xC000  }
0x105: {  	[sflag:s31] =	ssyncset.done $0x0  }
0x106: {  	[sflag:s31] =	ssyncadd.s32 $0xFFFF4000  }
0x107: {  	p0 =	sne.s32 s8, $0x1;
	_ =	swait.ge [sflag:s2], $0xE000  }
.Ltmp0:
0x108: {  	[sflag:s2] =	ssyncset.done $0x0;
	(pc) =	sbr.rel @p0 .LBB2_1-.Ltmp0, $4  }
0x109: {  	[sflag:s2] =	ssyncadd.s32 $0xFFFF2000  }
0x10a: {  	_ =	swait.ge [sflag:s30], $0x2000  }
0x10b: {  	[sflag:s30] =	ssyncset.done $0x0  }
0x10c: {  	s8 =	sadd.s32 $0xFFFFFFFF, s8;
	[sflag:s30] =	ssyncadd.s32 $0xFFFFE000  }
0x10d: {  	_ =	sfence.sel $0x180000  }
0x10e: {  	[bflag:$0x0] =	sbarrier.arrive $0xFFFF  }
0x10f: {  	_ =	strace $0x90000047  }
0x110: {  	s0 =	stileid.u32;
	[bflag:$0x2] =	sbarrier.arrive $0xFFFF  }
0x111: {  	p0 =	sne.s32 s0, $0x0;
	s0 =	rddreg [dreg:$0x3]  }
0x112: {  	s0 =	sadd.s32 @!p0 $0x100000, s0  }
0x113: {  	[sflag:s0] =	ssyncadd.tile.s32 @!p0 $0x1;
	_ =	shalt  }
.Lfunc_end2:
_tile_overlayer_lowered:
.L_overlay_start_2:
0x114: {  	(tag) =	ssettag $0x2  }
0x115: {  	s0 =	rddreg [dreg:$0x0];
	s2 =	stileid.u32  }
0x116: {  	s1 =	rddreg [dreg:$0x1];
	p0 =	sne.s32 s2, $0x0  }
0x117: {  	s3 =	rddreg [dreg:$0x2];
	[bflag:$0x3] =	sbarrier.arrive $0xFFFF;
	s2 =	simm.s32 @!p0 $0x1C07  }
0x118: {  	[timem:s3], [sflag:s2] =	dma.local @!p0 [hbm:s0], s1  }
0x119: {  	s0 =	simm.s32 @!p0 $0x7  }
0x11a: {  	_ =	swait.ge @!p0 [sflag:s0], s1  }
0x11b: {  	s1 =	ssub.s32 @!p0 $0x0, s1;
	[sflag:s0] =	ssyncset.done @!p0 $0x0  }
0x11c: {  	[sflag:s0] =	ssyncadd.s32 @!p0 s1  }
0x11d: {  	[bflag:$0x3] =	sbarrier.arrive $0xFFFF  }
0x11e: {  	_ =	shalt  }

</sc_bundles>
